<compile_context>
chip_gen: v7x
topology: tpu7x:2x2x1
jax: 0.10.2.dev20260603
libtpu: 0.0.44.dev20260713+nightly
codegen_flags: <defaults>
</compile_context>

<pallas_src>
import functools

import jax
import jax.numpy as jnp
from jax import lax
from jax.experimental import pallas as pl
from jax.experimental.pallas import tpu as pltpu
from jax.experimental.pallas import tpu_sc as plsc

N = 10000
D_IN = 256
D_OUT = 256
E = 160000

NP = 10240
ROWS = NP // 16
EP = 163840
CHUNK = 128
EPT_AGG = EP // 16
EPT_DEG = EP // 32
BLK = 512
RB = NP // BLK

_MESH = plsc.VectorSubcoreMesh(core_axis_name="c", subcore_axis_name="s")


DCPT = EPT_DEG // CHUNK


@functools.partial(
    pl.kernel,
    out_type=jax.ShapeDtypeStruct((2 * NP,), jnp.float32),
    mesh=_MESH,
    scratch_types=[
        pltpu.VMEM((DCPT, CHUNK), jnp.int32),
        pltpu.VMEM((CHUNK,), jnp.float32),
        pltpu.VMEM_SHARED((NP,), jnp.float32),
        pltpu.SemaphoreType.DMA,
    ],
)
def _deg_kernel(dst4_hbm, z1_hbm, ones_hbm, deg_hbm, idx_v, ones_v, acc_sh,
                isem):
    c = lax.axis_index("c")
    s = lax.axis_index("s")
    wid = c * 16 + s
    d1 = pltpu.async_copy(dst4_hbm.at[wid], idx_v, isem)
    pltpu.sync_copy(z1_hbm, acc_sh.at[pl.ds(s * ROWS, ROWS)])
    pltpu.sync_copy(ones_hbm, ones_v)
    d1.wait()
    plsc.subcore_barrier()

    def body(j, carry):
        pltpu.sync_copy(ones_v, acc_sh.at[idx_v.at[j]], add=True)
        return carry

    lax.fori_loop(0, DCPT, body, 0)
    plsc.subcore_barrier()
    pltpu.sync_copy(acc_sh.at[pl.ds(s * ROWS, ROWS)],
                    deg_hbm.at[pl.ds(c * NP + s * ROWS, ROWS)])


CPT = EPT_AGG // CHUNK
NBUF = 4


@functools.partial(
    pl.kernel,
    out_type=jax.ShapeDtypeStruct((2 * NP, 128), jnp.float32),
    mesh=_MESH,
    scratch_types=[
        pltpu.VMEM((CPT, CHUNK), jnp.int32),
        pltpu.VMEM((CPT, CHUNK), jnp.int32),
        pltpu.VMEM((CHUNK, 128), jnp.float32),
        pltpu.VMEM_SHARED((NP, 128), jnp.float32),
        pltpu.SemaphoreType.DMA,
    ],
)
def _agg_kernel(table_hbm, src3_hbm, dst3_hbm, z2_hbm, acc_hbm,
                sidx_v, didx_v, rows_v, acc_sh, sem):
    c = lax.axis_index("c")
    s = lax.axis_index("s")
    wid = c * 16 + s
    pltpu.sync_copy(src3_hbm.at[wid], sidx_v)
    pltpu.sync_copy(dst3_hbm.at[s], didx_v)
    pltpu.sync_copy(z2_hbm, acc_sh.at[pl.ds(s * ROWS, ROWS)])
    plsc.subcore_barrier()

    def body(j, carry):
        pltpu.async_copy(table_hbm.at[sidx_v.at[j]], rows_v, sem).wait()
        pltpu.sync_copy(rows_v, acc_sh.at[didx_v.at[j]], add=True)
        return carry

    lax.fori_loop(0, CPT, body, 0)
    plsc.subcore_barrier()
    pltpu.sync_copy(acc_sh.at[pl.ds(s * ROWS, ROWS)],
                    acc_hbm.at[pl.ds(c * NP + s * ROWS, ROWS)])


def _mm_body(x_ref, w_ref, deg_ref, o_ref):
    h = jnp.dot(x_ref[...], w_ref[...], preferred_element_type=jnp.float32)
    deg = deg_ref[0, :] + deg_ref[1, :] + 1.0
    dis = lax.rsqrt(deg)
    o_ref[...] = h * dis[:, None]


_mm_call = pl.pallas_call(
    _mm_body,
    grid=(RB, 2),
    in_specs=[
        pl.BlockSpec((BLK, D_IN), lambda i, c: (i, 0)),
        pl.BlockSpec((D_IN, 128), lambda i, c: (0, c)),
        pl.BlockSpec((2, BLK), lambda i, c: (0, i)),
    ],
    out_specs=pl.BlockSpec((BLK, 128), lambda i, c: (c * RB + i, 0)),
    out_shape=jax.ShapeDtypeStruct((2 * NP, 128), jnp.float32),
)


def _ep_body(acc_ref, g_ref, deg_ref, b_ref, o_ref):
    deg = deg_ref[0, :] + deg_ref[1, :] + 1.0
    dis = lax.rsqrt(deg)
    o_ref[...] = (acc_ref[...] + g_ref[...]) * dis[:, None] + b_ref[...]


_ep_call = pl.pallas_call(
    _ep_body,
    grid=(RB, 2),
    in_specs=[
        pl.BlockSpec((BLK, 128), lambda i, c: (c * RB + i, 0)),
        pl.BlockSpec((BLK, 128), lambda i, c: (c * RB + i, 0)),
        pl.BlockSpec((2, BLK), lambda i, c: (0, i)),
        pl.BlockSpec((1, 128), lambda i, c: (0, c)),
    ],
    out_specs=pl.BlockSpec((BLK, 128), lambda i, c: (i, c)),
    out_shape=jax.ShapeDtypeStruct((NP, D_OUT), jnp.float32),
)


def kernel(x, edge_index, W, b):
    ei = edge_index.astype(jnp.int32)
    src = ei[0]
    dst = ei[1]
    pad = EP - E
    srcp = jnp.concatenate([src, jnp.full((pad,), N, jnp.int32)])
    dstp = jnp.concatenate([dst, jnp.full((pad,), N, jnp.int32)])
    src3 = jnp.concatenate([srcp, srcp + NP]).reshape(32, CPT, CHUNK)
    dst3 = dstp.reshape(16, CPT, CHUNK)
    dst4 = dstp.reshape(32, DCPT, CHUNK)

    xp = jnp.concatenate([x, jnp.zeros((NP - N, D_IN), jnp.float32)])
    z1 = jnp.zeros((ROWS,), jnp.float32)
    z2 = jnp.zeros((ROWS, 128), jnp.float32)
    ones = jnp.ones((CHUNK,), jnp.float32)

    deg2 = _deg_kernel(dst4, z1, ones).reshape(2, NP)
    table = _mm_call(xp, W, deg2)
    acc2 = _agg_kernel(table, src3, dst3, z2)
    outp = _ep_call(acc2, table, deg2, b.reshape(1, D_OUT))
    return outp[:N]

# --- scband reference (transcript-rebuilt; emitter-appended) ---
"""Pipeline reference for scband-concat-model-12292196401152 (READ-ONLY COPY).

The authoritative reference and input builder live on the scoring server;
editing this copy changes nothing except your own understanding.
"""

import jax, jax.numpy as jnp
import numpy as np

N_NODES = 10000
D_IN = 256
D_OUT = 256
N_EDGES = 160000

def setup_inputs(seed: int = 0) -> dict:
    key = jax.random.key(seed)
    k1, k2, k3, k4 = jax.random.split(key, 4)
    x = jax.random.normal(k1, (N_NODES, D_IN), dtype=jnp.float32)
    edge_index = jax.random.randint(k2, (2, N_EDGES), 0, N_NODES, dtype=jnp.int64)
    # GCNConv weight (glorot) and bias, sized per init_kwargs (in_dim=256, out_dim=256)
    limit = float(np.sqrt(6.0 / (D_IN + D_OUT)))
    W = jax.random.uniform(k3, (D_IN, D_OUT), minval=-limit, maxval=limit, dtype=jnp.float32)
    b = jnp.zeros((D_OUT,), dtype=jnp.float32)
    return {"x": x, "edge_index": edge_index, "W": W, "b": b}

def reference(x, edge_index, W, b):
    # ConcatModel with motif_dim=0 and no motif_x: passes x straight to the GCN encoder.
    # Canonical GCNConv: out = D^{-1/2} (A + I) D^{-1/2} X W + b
    N = x.shape[0]
    loop = jnp.arange(N, dtype=edge_index.dtype)
    src = jnp.concatenate([edge_index[0], loop])
    dst = jnp.concatenate([edge_index[1], loop])
    deg = jnp.zeros((N,), dtype=x.dtype).at[dst].add(1.0)
    deg_inv_sqrt = jnp.where(deg > 0, 1.0 / jnp.sqrt(deg), 0.0)
    h = x @ W
    norm = deg_inv_sqrt[src] * deg_inv_sqrt[dst]
    msgs = h[src] * norm[:, None]
    out = jnp.zeros((N, h.shape[1]), dtype=x.dtype).at[dst].add(msgs)
    return out + b

if __name__ == "__main__":
    import jax
    _d = setup_inputs()
    print(jax.jit(kernel)(*tuple(_d.values())))

</pallas_src>

<mosaic_0001>
#map = affine_map<(d0, d1) -> (0, 0)>
#map1 = affine_map<(d0, d1) -> (0, 0, 0)>
module attributes {stable_mosaic.version = 14 : i64} {
  func.func @_agg_kernel(%arg0: i32, %arg1: i32, %arg2: memref<20480x128xf32, #tpu.memory_space<hbm>>, %arg3: memref<32x80x128xi32, #tpu.memory_space<hbm>>, %arg4: memref<16x80x128xi32, #tpu.memory_space<hbm>>, %arg5: memref<640x128xf32, #tpu.memory_space<hbm>>, %arg6: memref<20480x128xf32, #tpu.memory_space<hbm>>, %arg7: memref<80x128xi32, #tpu.memory_space<vmem>>, %arg8: memref<80x128xi32, #tpu.memory_space<vmem>>, %arg9: memref<128x128xf32, #tpu.memory_space<vmem>>, %arg10: memref<10240x128xf32, #tpu.memory_space<vmem_shared>>, %arg11: memref<!tpu.dma_semaphore, #tpu.memory_space<semaphore_mem>>) attributes {dimension_semantics = [#tpu.dimension_semantics<core_parallel>, #tpu.dimension_semantics<subcore_parallel>], iteration_bounds = array<i64: 2, 16>, scalar_prefetch = 0 : i64, scratch_operands = 5 : i64, tpu.core_type = #tpu.core_type<sc_vector_subcore>, window_params = [{transform_indices = #map}, {transform_indices = #map1}, {transform_indices = #map1}, {transform_indices = #map}, {transform_indices = #map}]} {
    %mul3A = arith.constant 16 : i32
    %mul3A_0 = arith.muli %arg0, %mul3A : i32
    %add3A = arith.addi %mul3A_0, %arg1 : i32
    "tpu.region"() ({
      %run_scoped3A = tpu.sem_alloc : memref<!tpu.dma_semaphore, #tpu.memory_space<semaphore_mem>>
      %dma_start3A = arith.constant 0 : i32
      %dma_start3A_16 = arith.constant 0 : i32
      %dma_start3A_17 = tpu.memref_slice %arg3[%add3A, %dma_start3A, %dma_start3A_16] : memref<32x80x128xi32, #tpu.memory_space<hbm>> -> memref<1x80x128xi32, #tpu.memory_space<hbm>>
      %dma_start3A_18 = tpu.memref_squeeze %dma_start3A_17 : memref<1x80x128xi32, #tpu.memory_space<hbm>> -> memref<80x128xi32, #tpu.memory_space<hbm>>
      %dma_start3A_19 = arith.constant 0 : i32
      %dma_start3A_20 = arith.constant 0 : i32
      %dma_start3A_21 = tpu.memref_slice %arg3[%add3A, %dma_start3A_19, %dma_start3A_20] : memref<32x80x128xi32, #tpu.memory_space<hbm>> -> memref<1x80x128xi32, #tpu.memory_space<hbm>>
      %dma_start3A_22 = tpu.memref_squeeze %dma_start3A_21 : memref<1x80x128xi32, #tpu.memory_space<hbm>> -> memref<80x128xi32, #tpu.memory_space<hbm>>
      tpu.enqueue_dma source(%dma_start3A_22 : memref<80x128xi32, #tpu.memory_space<hbm>>) target(%arg7 : memref<80x128xi32, #tpu.memory_space<vmem>>) target_semaphore(%run_scoped3A : memref<!tpu.dma_semaphore, #tpu.memory_space<semaphore_mem>>)
      %dma_wait3A = arith.constant 0 : i32
      %dma_wait3A_23 = arith.constant 0 : i32
      %dma_wait3A_24 = tpu.memref_slice %arg3[%add3A, %dma_wait3A, %dma_wait3A_23] : memref<32x80x128xi32, #tpu.memory_space<hbm>> -> memref<1x80x128xi32, #tpu.memory_space<hbm>>
      %dma_wait3A_25 = tpu.memref_squeeze %dma_wait3A_24 : memref<1x80x128xi32, #tpu.memory_space<hbm>> -> memref<80x128xi32, #tpu.memory_space<hbm>>
      %dma_wait3A_26 = arith.constant 0 : i32
      %dma_wait3A_27 = arith.constant 0 : i32
      %dma_wait3A_28 = tpu.memref_slice %arg3[%add3A, %dma_wait3A_26, %dma_wait3A_27] : memref<32x80x128xi32, #tpu.memory_space<hbm>> -> memref<1x80x128xi32, #tpu.memory_space<hbm>>
      %dma_wait3A_29 = tpu.memref_squeeze %dma_wait3A_28 : memref<1x80x128xi32, #tpu.memory_space<hbm>> -> memref<80x128xi32, #tpu.memory_space<hbm>>
      tpu.wait_dma2 semaphore(%run_scoped3A : memref<!tpu.dma_semaphore, #tpu.memory_space<semaphore_mem>>) src(%dma_wait3A_29 : memref<80x128xi32, #tpu.memory_space<hbm>>) dst(%arg7 : memref<80x128xi32, #tpu.memory_space<vmem>>)
      tpu.yield
    }) : () -> ()
    "tpu.region"() ({
      %run_scoped3A = tpu.sem_alloc : memref<!tpu.dma_semaphore, #tpu.memory_space<semaphore_mem>>
      %dma_start3A = arith.constant 0 : i32
      %dma_start3A_16 = arith.constant 0 : i32
      %dma_start3A_17 = tpu.memref_slice %arg4[%arg1, %dma_start3A, %dma_start3A_16] : memref<16x80x128xi32, #tpu.memory_space<hbm>> -> memref<1x80x128xi32, #tpu.memory_space<hbm>>
      %dma_start3A_18 = tpu.memref_squeeze %dma_start3A_17 : memref<1x80x128xi32, #tpu.memory_space<hbm>> -> memref<80x128xi32, #tpu.memory_space<hbm>>
      %dma_start3A_19 = arith.constant 0 : i32
      %dma_start3A_20 = arith.constant 0 : i32
      %dma_start3A_21 = tpu.memref_slice %arg4[%arg1, %dma_start3A_19, %dma_start3A_20] : memref<16x80x128xi32, #tpu.memory_space<hbm>> -> memref<1x80x128xi32, #tpu.memory_space<hbm>>
      %dma_start3A_22 = tpu.memref_squeeze %dma_start3A_21 : memref<1x80x128xi32, #tpu.memory_space<hbm>> -> memref<80x128xi32, #tpu.memory_space<hbm>>
      tpu.enqueue_dma source(%dma_start3A_22 : memref<80x128xi32, #tpu.memory_space<hbm>>) target(%arg8 : memref<80x128xi32, #tpu.memory_space<vmem>>) target_semaphore(%run_scoped3A : memref<!tpu.dma_semaphore, #tpu.memory_space<semaphore_mem>>)
      %dma_wait3A = arith.constant 0 : i32
      %dma_wait3A_23 = arith.constant 0 : i32
      %dma_wait3A_24 = tpu.memref_slice %arg4[%arg1, %dma_wait3A, %dma_wait3A_23] : memref<16x80x128xi32, #tpu.memory_space<hbm>> -> memref<1x80x128xi32, #tpu.memory_space<hbm>>
      %dma_wait3A_25 = tpu.memref_squeeze %dma_wait3A_24 : memref<1x80x128xi32, #tpu.memory_space<hbm>> -> memref<80x128xi32, #tpu.memory_space<hbm>>
      %dma_wait3A_26 = arith.constant 0 : i32
      %dma_wait3A_27 = arith.constant 0 : i32
      %dma_wait3A_28 = tpu.memref_slice %arg4[%arg1, %dma_wait3A_26, %dma_wait3A_27] : memref<16x80x128xi32, #tpu.memory_space<hbm>> -> memref<1x80x128xi32, #tpu.memory_space<hbm>>
      %dma_wait3A_29 = tpu.memref_squeeze %dma_wait3A_28 : memref<1x80x128xi32, #tpu.memory_space<hbm>> -> memref<80x128xi32, #tpu.memory_space<hbm>>
      tpu.wait_dma2 semaphore(%run_scoped3A : memref<!tpu.dma_semaphore, #tpu.memory_space<semaphore_mem>>) src(%dma_wait3A_29 : memref<80x128xi32, #tpu.memory_space<hbm>>) dst(%arg8 : memref<80x128xi32, #tpu.memory_space<vmem>>)
      tpu.yield
    }) : () -> ()
    %mul3A_1 = arith.constant 640 : i32
    %mul3A_2 = arith.muli %arg1, %mul3A_1 : i32
    "tpu.region"() ({
      %run_scoped3A = tpu.sem_alloc : memref<!tpu.dma_semaphore, #tpu.memory_space<semaphore_mem>>
      %dma_start3A = arith.constant 0 : i32
      %dma_start3A_16 = tpu.memref_slice %arg10[%mul3A_2, %dma_start3A] : memref<10240x128xf32, #tpu.memory_space<vmem_shared>> -> memref<640x128xf32, #tpu.memory_space<vmem_shared>>
      tpu.enqueue_dma source(%arg5 : memref<640x128xf32, #tpu.memory_space<hbm>>) target(%dma_start3A_16 : memref<640x128xf32, #tpu.memory_space<vmem_shared>>) target_semaphore(%run_scoped3A : memref<!tpu.dma_semaphore, #tpu.memory_space<semaphore_mem>>)
      %dma_wait3A = arith.constant 0 : i32
      %dma_wait3A_17 = tpu.memref_slice %arg10[%mul3A_2, %dma_wait3A] : memref<10240x128xf32, #tpu.memory_space<vmem_shared>> -> memref<640x128xf32, #tpu.memory_space<vmem_shared>>
      tpu.wait_dma2 semaphore(%run_scoped3A : memref<!tpu.dma_semaphore, #tpu.memory_space<semaphore_mem>>) src(%arg5 : memref<640x128xf32, #tpu.memory_space<hbm>>) dst(%dma_wait3A_17 : memref<640x128xf32, #tpu.memory_space<vmem_shared>>)
      tpu.yield
    }) : () -> ()
    %barrier3A = arith.constant 0 : index
    tpu.barrier barrier_id(%barrier3A)
    %scan3A = arith.constant 0 : i32
    %scan3A_3 = arith.constant 0 : i32
    %scan3A_4 = arith.constant 80 : i32
    %scan3A_5 = arith.addi %scan3A_3, %scan3A_4 : i32
    %scan3A_6 = arith.constant 1 : i32
    scf.for %scan3A_16 = %scan3A_3 to %scan3A_5 step %scan3A_6  : i32 {
      %dma_start3A = arith.constant 0 : i32
      %dma_start3A_17 = tpu.memref_slice %arg7[%scan3A_16, %dma_start3A] : memref<80x128xi32, #tpu.memory_space<vmem>> -> memref<1x128xi32, #tpu.memory_space<vmem>>
      %dma_start3A_18 = tpu.memref_squeeze %dma_start3A_17 : memref<1x128xi32, #tpu.memory_space<vmem>> -> memref<128xi32, #tpu.memory_space<vmem>>
      %dma_start3A_19 = arith.constant 0 : i32
      %dma_start3A_20 = arith.constant 0 : i32
      %dma_start3A_21 = tpu.memref_slice %arg2[%dma_start3A_19, %dma_start3A_20] : memref<20480x128xf32, #tpu.memory_space<hbm>> -> memref<20480x128xf32, #tpu.memory_space<hbm>>
      tpu.enqueue_indirect_dma source(%dma_start3A_21 : memref<20480x128xf32, #tpu.memory_space<hbm>>) target(%arg9 : memref<128x128xf32, #tpu.memory_space<vmem>>) offsets(%dma_start3A_18 : memref<128xi32, #tpu.memory_space<vmem>>) semaphore(%arg11 : memref<!tpu.dma_semaphore, #tpu.memory_space<semaphore_mem>>)
      %dma_wait3A = arith.constant 0 : i32
      %dma_wait3A_22 = tpu.memref_slice %arg7[%scan3A_16, %dma_wait3A] : memref<80x128xi32, #tpu.memory_space<vmem>> -> memref<1x128xi32, #tpu.memory_space<vmem>>
      %dma_wait3A_23 = tpu.memref_squeeze %dma_wait3A_22 : memref<1x128xi32, #tpu.memory_space<vmem>> -> memref<128xi32, #tpu.memory_space<vmem>>
      %dma_wait3A_24 = arith.constant 0 : i32
      %dma_wait3A_25 = arith.constant 0 : i32
      %dma_wait3A_26 = tpu.memref_slice %arg2[%dma_wait3A_24, %dma_wait3A_25] : memref<20480x128xf32, #tpu.memory_space<hbm>> -> memref<20480x128xf32, #tpu.memory_space<hbm>>
      tpu.wait_indirect_dma semaphore(%arg11 : memref<!tpu.dma_semaphore, #tpu.memory_space<semaphore_mem>>) src(%dma_wait3A_26 : memref<20480x128xf32, #tpu.memory_space<hbm>>) dst(%arg9 : memref<128x128xf32, #tpu.memory_space<vmem>>)
      "tpu.region"() ({
        %run_scoped3A = tpu.sem_alloc : memref<!tpu.dma_semaphore, #tpu.memory_space<semaphore_mem>>
        %dma_start3A_27 = arith.constant 0 : i32
        %dma_start3A_28 = tpu.memref_slice %arg8[%scan3A_16, %dma_start3A_27] : memref<80x128xi32, #tpu.memory_space<vmem>> -> memref<1x128xi32, #tpu.memory_space<vmem>>
        %dma_start3A_29 = tpu.memref_squeeze %dma_start3A_28 : memref<1x128xi32, #tpu.memory_space<vmem>> -> memref<128xi32, #tpu.memory_space<vmem>>
        %dma_start3A_30 = arith.constant 0 : i32
        %dma_start3A_31 = arith.constant 0 : i32
        %dma_start3A_32 = tpu.memref_slice %arg10[%dma_start3A_30, %dma_start3A_31] : memref<10240x128xf32, #tpu.memory_space<vmem_shared>> -> memref<10240x128xf32, #tpu.memory_space<vmem_shared>>
        tpu.enqueue_indirect_dma source(%arg9 : memref<128x128xf32, #tpu.memory_space<vmem>>) target(%dma_start3A_32 : memref<10240x128xf32, #tpu.memory_space<vmem_shared>>) offsets(%dma_start3A_29 : memref<128xi32, #tpu.memory_space<vmem>>) semaphore(%run_scoped3A : memref<!tpu.dma_semaphore, #tpu.memory_space<semaphore_mem>>) {add = true}
        %dma_wait3A_33 = arith.constant 0 : i32
        %dma_wait3A_34 = tpu.memref_slice %arg8[%scan3A_16, %dma_wait3A_33] : memref<80x128xi32, #tpu.memory_space<vmem>> -> memref<1x128xi32, #tpu.memory_space<vmem>>
        %dma_wait3A_35 = tpu.memref_squeeze %dma_wait3A_34 : memref<1x128xi32, #tpu.memory_space<vmem>> -> memref<128xi32, #tpu.memory_space<vmem>>
        %dma_wait3A_36 = arith.constant 0 : i32
        %dma_wait3A_37 = arith.constant 0 : i32
        %dma_wait3A_38 = tpu.memref_slice %arg10[%dma_wait3A_36, %dma_wait3A_37] : memref<10240x128xf32, #tpu.memory_space<vmem_shared>> -> memref<10240x128xf32, #tpu.memory_space<vmem_shared>>
        tpu.wait_indirect_dma semaphore(%run_scoped3A : memref<!tpu.dma_semaphore, #tpu.memory_space<semaphore_mem>>) src(%arg9 : memref<128x128xf32, #tpu.memory_space<vmem>>) dst(%dma_wait3A_38 : memref<10240x128xf32, #tpu.memory_space<vmem_shared>>)
        tpu.yield
      }) : () -> ()
    }
    %scan3A_7 = arith.constant 80 : i32
    %barrier3A_8 = arith.constant 0 : index
    tpu.barrier barrier_id(%barrier3A_8)
    %mul3A_9 = arith.constant 640 : i32
    %mul3A_10 = arith.muli %arg1, %mul3A_9 : i32
    %mul3A_11 = arith.constant 10240 : i32
    %mul3A_12 = arith.muli %arg0, %mul3A_11 : i32
    %mul3A_13 = arith.constant 640 : i32
    %mul3A_14 = arith.muli %arg1, %mul3A_13 : i32
    %add3A_15 = arith.addi %mul3A_12, %mul3A_14 : i32
    "tpu.region"() ({
      %run_scoped3A = tpu.sem_alloc : memref<!tpu.dma_semaphore, #tpu.memory_space<semaphore_mem>>
      %dma_start3A = arith.constant 0 : i32
      %dma_start3A_16 = tpu.memref_slice %arg6[%add3A_15, %dma_start3A] : memref<20480x128xf32, #tpu.memory_space<hbm>> -> memref<640x128xf32, #tpu.memory_space<hbm>>
      %dma_start3A_17 = arith.constant 0 : i32
      %dma_start3A_18 = tpu.memref_slice %arg10[%mul3A_10, %dma_start3A_17] : memref<10240x128xf32, #tpu.memory_space<vmem_shared>> -> memref<640x128xf32, #tpu.memory_space<vmem_shared>>
      tpu.enqueue_dma source(%dma_start3A_18 : memref<640x128xf32, #tpu.memory_space<vmem_shared>>) target(%dma_start3A_16 : memref<640x128xf32, #tpu.memory_space<hbm>>) target_semaphore(%run_scoped3A : memref<!tpu.dma_semaphore, #tpu.memory_space<semaphore_mem>>)
      %dma_wait3A = arith.constant 0 : i32
      %dma_wait3A_19 = tpu.memref_slice %arg6[%add3A_15, %dma_wait3A] : memref<20480x128xf32, #tpu.memory_space<hbm>> -> memref<640x128xf32, #tpu.memory_space<hbm>>
      %dma_wait3A_20 = arith.constant 0 : i32
      %dma_wait3A_21 = tpu.memref_slice %arg10[%mul3A_10, %dma_wait3A_20] : memref<10240x128xf32, #tpu.memory_space<vmem_shared>> -> memref<640x128xf32, #tpu.memory_space<vmem_shared>>
      tpu.wait_dma2 semaphore(%run_scoped3A : memref<!tpu.dma_semaphore, #tpu.memory_space<semaphore_mem>>) src(%dma_wait3A_21 : memref<640x128xf32, #tpu.memory_space<vmem_shared>>) dst(%dma_wait3A_19 : memref<640x128xf32, #tpu.memory_space<hbm>>)
      tpu.yield
    }) : () -> ()
    return
  }
}

#map = affine_map<(d0, d1) -> (0, 0, 0)>
#map1 = affine_map<(d0, d1) -> (0)>
module attributes {stable_mosaic.version = 14 : i64} {
  func.func @_deg_kernel(%arg0: i32, %arg1: i32, %arg2: memref<32x40x128xi32, #tpu.memory_space<hbm>>, %arg3: memref<640xf32, #tpu.memory_space<hbm>>, %arg4: memref<128xf32, #tpu.memory_space<hbm>>, %arg5: memref<20480xf32, #tpu.memory_space<hbm>>, %arg6: memref<40x128xi32, #tpu.memory_space<vmem>>, %arg7: memref<128xf32, #tpu.memory_space<vmem>>, %arg8: memref<10240xf32, #tpu.memory_space<vmem_shared>>, %arg9: memref<!tpu.dma_semaphore, #tpu.memory_space<semaphore_mem>>) attributes {dimension_semantics = [#tpu.dimension_semantics<core_parallel>, #tpu.dimension_semantics<subcore_parallel>], iteration_bounds = array<i64: 2, 16>, scalar_prefetch = 0 : i64, scratch_operands = 4 : i64, tpu.core_type = #tpu.core_type<sc_vector_subcore>, window_params = [{transform_indices = #map}, {transform_indices = #map1}, {transform_indices = #map1}, {transform_indices = #map1}]} {
    %mul3A = arith.constant 16 : i32
    %mul3A_0 = arith.muli %arg0, %mul3A : i32
    %add3A = arith.addi %mul3A_0, %arg1 : i32
    %dma_start3A = arith.constant 0 : i32
    %dma_start3A_1 = arith.constant 0 : i32
    %dma_start3A_2 = tpu.memref_slice %arg2[%add3A, %dma_start3A, %dma_start3A_1] : memref<32x40x128xi32, #tpu.memory_space<hbm>> -> memref<1x40x128xi32, #tpu.memory_space<hbm>>
    %dma_start3A_3 = tpu.memref_squeeze %dma_start3A_2 : memref<1x40x128xi32, #tpu.memory_space<hbm>> -> memref<40x128xi32, #tpu.memory_space<hbm>>
    %dma_start3A_4 = arith.constant 0 : i32
    %dma_start3A_5 = arith.constant 0 : i32
    %dma_start3A_6 = tpu.memref_slice %arg2[%add3A, %dma_start3A_4, %dma_start3A_5] : memref<32x40x128xi32, #tpu.memory_space<hbm>> -> memref<1x40x128xi32, #tpu.memory_space<hbm>>
    %dma_start3A_7 = tpu.memref_squeeze %dma_start3A_6 : memref<1x40x128xi32, #tpu.memory_space<hbm>> -> memref<40x128xi32, #tpu.memory_space<hbm>>
    tpu.enqueue_dma source(%dma_start3A_7 : memref<40x128xi32, #tpu.memory_space<hbm>>) target(%arg6 : memref<40x128xi32, #tpu.memory_space<vmem>>) target_semaphore(%arg9 : memref<!tpu.dma_semaphore, #tpu.memory_space<semaphore_mem>>)
    %mul3A_8 = arith.constant 640 : i32
    %mul3A_9 = arith.muli %arg1, %mul3A_8 : i32
    "tpu.region"() ({
      %run_scoped3A = tpu.sem_alloc : memref<!tpu.dma_semaphore, #tpu.memory_space<semaphore_mem>>
      %dma_start3A_30 = tpu.memref_slice %arg8[%mul3A_9] : memref<10240xf32, #tpu.memory_space<vmem_shared>> -> memref<640xf32, #tpu.memory_space<vmem_shared>>
      tpu.enqueue_dma source(%arg3 : memref<640xf32, #tpu.memory_space<hbm>>) target(%dma_start3A_30 : memref<640xf32, #tpu.memory_space<vmem_shared>>) target_semaphore(%run_scoped3A : memref<!tpu.dma_semaphore, #tpu.memory_space<semaphore_mem>>)
      %dma_wait3A_31 = tpu.memref_slice %arg8[%mul3A_9] : memref<10240xf32, #tpu.memory_space<vmem_shared>> -> memref<640xf32, #tpu.memory_space<vmem_shared>>
      tpu.wait_dma2 semaphore(%run_scoped3A : memref<!tpu.dma_semaphore, #tpu.memory_space<semaphore_mem>>) src(%arg3 : memref<640xf32, #tpu.memory_space<hbm>>) dst(%dma_wait3A_31 : memref<640xf32, #tpu.memory_space<vmem_shared>>)
      tpu.yield
    }) : () -> ()
    "tpu.region"() ({
      %run_scoped3A = tpu.sem_alloc : memref<!tpu.dma_semaphore, #tpu.memory_space<semaphore_mem>>
      tpu.enqueue_dma source(%arg4 : memref<128xf32, #tpu.memory_space<hbm>>) target(%arg7 : memref<128xf32, #tpu.memory_space<vmem>>) target_semaphore(%run_scoped3A : memref<!tpu.dma_semaphore, #tpu.memory_space<semaphore_mem>>)
      tpu.wait_dma2 semaphore(%run_scoped3A : memref<!tpu.dma_semaphore, #tpu.memory_space<semaphore_mem>>) src(%arg4 : memref<128xf32, #tpu.memory_space<hbm>>) dst(%arg7 : memref<128xf32, #tpu.memory_space<vmem>>)
      tpu.yield
    }) : () -> ()
    %dma_wait3A = arith.constant 0 : i32
    %dma_wait3A_10 = arith.constant 0 : i32
    %dma_wait3A_11 = tpu.memref_slice %arg2[%add3A, %dma_wait3A, %dma_wait3A_10] : memref<32x40x128xi32, #tpu.memory_space<hbm>> -> memref<1x40x128xi32, #tpu.memory_space<hbm>>
    %dma_wait3A_12 = tpu.memref_squeeze %dma_wait3A_11 : memref<1x40x128xi32, #tpu.memory_space<hbm>> -> memref<40x128xi32, #tpu.memory_space<hbm>>
    %dma_wait3A_13 = arith.constant 0 : i32
    %dma_wait3A_14 = arith.constant 0 : i32
    %dma_wait3A_15 = tpu.memref_slice %arg2[%add3A, %dma_wait3A_13, %dma_wait3A_14] : memref<32x40x128xi32, #tpu.memory_space<hbm>> -> memref<1x40x128xi32, #tpu.memory_space<hbm>>
    %dma_wait3A_16 = tpu.memref_squeeze %dma_wait3A_15 : memref<1x40x128xi32, #tpu.memory_space<hbm>> -> memref<40x128xi32, #tpu.memory_space<hbm>>
    tpu.wait_dma2 semaphore(%arg9 : memref<!tpu.dma_semaphore, #tpu.memory_space<semaphore_mem>>) src(%dma_wait3A_16 : memref<40x128xi32, #tpu.memory_space<hbm>>) dst(%arg6 : memref<40x128xi32, #tpu.memory_space<vmem>>)
    %barrier3A = arith.constant 0 : index
    tpu.barrier barrier_id(%barrier3A)
    %scan3A = arith.constant 0 : i32
    %scan3A_17 = arith.constant 0 : i32
    %scan3A_18 = arith.constant 40 : i32
    %scan3A_19 = arith.addi %scan3A_17, %scan3A_18 : i32
    %scan3A_20 = arith.constant 1 : i32
    scf.for %scan3A_30 = %scan3A_17 to %scan3A_19 step %scan3A_20  : i32 {
      "tpu.region"() ({
        %run_scoped3A = tpu.sem_alloc : memref<!tpu.dma_semaphore, #tpu.memory_space<semaphore_mem>>
        %dma_start3A_31 = arith.constant 0 : i32
        %dma_start3A_32 = tpu.memref_slice %arg6[%scan3A_30, %dma_start3A_31] : memref<40x128xi32, #tpu.memory_space<vmem>> -> memref<1x128xi32, #tpu.memory_space<vmem>>
        %dma_start3A_33 = tpu.memref_squeeze %dma_start3A_32 : memref<1x128xi32, #tpu.memory_space<vmem>> -> memref<128xi32, #tpu.memory_space<vmem>>
        %dma_start3A_34 = arith.constant 0 : i32
        %dma_start3A_35 = tpu.memref_slice %arg8[%dma_start3A_34] : memref<10240xf32, #tpu.memory_space<vmem_shared>> -> memref<10240xf32, #tpu.memory_space<vmem_shared>>
        tpu.enqueue_indirect_dma source(%arg7 : memref<128xf32, #tpu.memory_space<vmem>>) target(%dma_start3A_35 : memref<10240xf32, #tpu.memory_space<vmem_shared>>) offsets(%dma_start3A_33 : memref<128xi32, #tpu.memory_space<vmem>>) semaphore(%run_scoped3A : memref<!tpu.dma_semaphore, #tpu.memory_space<semaphore_mem>>) {add = true}
        %dma_wait3A_36 = arith.constant 0 : i32
        %dma_wait3A_37 = tpu.memref_slice %arg6[%scan3A_30, %dma_wait3A_36] : memref<40x128xi32, #tpu.memory_space<vmem>> -> memref<1x128xi32, #tpu.memory_space<vmem>>
        %dma_wait3A_38 = tpu.memref_squeeze %dma_wait3A_37 : memref<1x128xi32, #tpu.memory_space<vmem>> -> memref<128xi32, #tpu.memory_space<vmem>>
        %dma_wait3A_39 = arith.constant 0 : i32
        %dma_wait3A_40 = tpu.memref_slice %arg8[%dma_wait3A_39] : memref<10240xf32, #tpu.memory_space<vmem_shared>> -> memref<10240xf32, #tpu.memory_space<vmem_shared>>
        tpu.wait_indirect_dma semaphore(%run_scoped3A : memref<!tpu.dma_semaphore, #tpu.memory_space<semaphore_mem>>) src(%arg7 : memref<128xf32, #tpu.memory_space<vmem>>) dst(%dma_wait3A_40 : memref<10240xf32, #tpu.memory_space<vmem_shared>>)
        tpu.yield
      }) : () -> ()
    }
    %scan3A_21 = arith.constant 40 : i32
    %barrier3A_22 = arith.constant 0 : index
    tpu.barrier barrier_id(%barrier3A_22)
    %mul3A_23 = arith.constant 640 : i32
    %mul3A_24 = arith.muli %arg1, %mul3A_23 : i32
    %mul3A_25 = arith.constant 10240 : i32
    %mul3A_26 = arith.muli %arg0, %mul3A_25 : i32
    %mul3A_27 = arith.constant 640 : i32
    %mul3A_28 = arith.muli %arg1, %mul3A_27 : i32
    %add3A_29 = arith.addi %mul3A_26, %mul3A_28 : i32
    "tpu.region"() ({
      %run_scoped3A = tpu.sem_alloc : memref<!tpu.dma_semaphore, #tpu.memory_space<semaphore_mem>>
      %dma_start3A_30 = tpu.memref_slice %arg5[%add3A_29] : memref<20480xf32, #tpu.memory_space<hbm>> -> memref<640xf32, #tpu.memory_space<hbm>>
      %dma_start3A_31 = tpu.memref_slice %arg8[%mul3A_24] : memref<10240xf32, #tpu.memory_space<vmem_shared>> -> memref<640xf32, #tpu.memory_space<vmem_shared>>
      tpu.enqueue_dma source(%dma_start3A_31 : memref<640xf32, #tpu.memory_space<vmem_shared>>) target(%dma_start3A_30 : memref<640xf32, #tpu.memory_space<hbm>>) target_semaphore(%run_scoped3A : memref<!tpu.dma_semaphore, #tpu.memory_space<semaphore_mem>>)
      %dma_wait3A_32 = tpu.memref_slice %arg5[%add3A_29] : memref<20480xf32, #tpu.memory_space<hbm>> -> memref<640xf32, #tpu.memory_space<hbm>>
      %dma_wait3A_33 = tpu.memref_slice %arg8[%mul3A_24] : memref<10240xf32, #tpu.memory_space<vmem_shared>> -> memref<640xf32, #tpu.memory_space<vmem_shared>>
      tpu.wait_dma2 semaphore(%run_scoped3A : memref<!tpu.dma_semaphore, #tpu.memory_space<semaphore_mem>>) src(%dma_wait3A_33 : memref<640xf32, #tpu.memory_space<vmem_shared>>) dst(%dma_wait3A_32 : memref<640xf32, #tpu.memory_space<hbm>>)
      tpu.yield
    }) : () -> ()
    return
  }
}

module attributes {stable_mosaic.version = 14 : i64} {
  func.func @_mm_body(%arg0: i32, %arg1: i32, %arg2: memref<512x256xf32, #tpu.memory_space<vmem>>, %arg3: memref<256x128xf32, #tpu.memory_space<vmem>>, %arg4: memref<2x512xf32, #tpu.memory_space<vmem>>, %arg5: memref<512x128xf32, #tpu.memory_space<vmem>>) attributes {dimension_semantics = [#tpu.dimension_semantics<arbitrary>, #tpu.dimension_semantics<arbitrary>], iteration_bounds = array<i64: 20, 2>, scalar_prefetch = 0 : i64, scratch_operands = 0 : i64, tpu.core_type = #tpu.core_type<tc>, window_params = [{transform_indices = @transform_0, window_bounds = array<i64: 512, 256>}, {transform_indices = @transform_1, window_bounds = array<i64: 256, 128>}, {transform_indices = @transform_2, window_bounds = array<i64: 2, 512>}, {transform_indices = @transform_3, window_bounds = array<i64: 512, 128>}]} {
    %get3A = arith.constant 0 : index
    %get3A_0 = arith.constant 0 : index
    %get3A_1 = vector.load %arg2[%get3A, %get3A_0] : memref<512x256xf32, #tpu.memory_space<vmem>>, vector<512x256xf32>
    %get3A_2 = arith.constant 0 : index
    %get3A_3 = arith.constant 0 : index
    %get3A_4 = vector.load %arg3[%get3A_2, %get3A_3] : memref<256x128xf32, #tpu.memory_space<vmem>>, vector<256x128xf32>
    %dot_general3A = arith.constant dense<0.000000e+00> : vector<512x128xf32>
    %dot_general3A_5 = tpu.matmul %get3A_1, %get3A_4, %dot_general3A {dimension_numbers = #tpu.dot_dimension_numbers<[1], [0], [0], [1], [0, 0, 1, 1], [], []>, transpose_lhs_hint = false} : vector<512x256xf32>, vector<256x128xf32>, vector<512x128xf32> -> vector<512x128xf32>
    %get3A_6 = arith.constant 0 : index
    %get3A_7 = arith.constant 0 : index
    %get3A_8 = vector.load %arg4[%get3A_6, %get3A_7] : memref<2x512xf32, #tpu.memory_space<vmem>>, vector<1x512xf32>
    %get3A_9 = vector.shape_cast %get3A_8 : vector<1x512xf32> to vector<512xf32>
    %get3A_10 = arith.constant 1 : index
    %get3A_11 = arith.constant 0 : index
    %get3A_12 = vector.load %arg4[%get3A_10, %get3A_11] : memref<2x512xf32, #tpu.memory_space<vmem>>, vector<1x512xf32>
    %get3A_13 = vector.shape_cast %get3A_12 : vector<1x512xf32> to vector<512xf32>
    %add3A = arith.addf %get3A_9, %get3A_13 : vector<512xf32>
    %add3A_14 = arith.constant 1.000000e+00 : f32
    %add3A_15 = vector.broadcast %add3A_14 : f32 to vector<512xf32>
    %add3A_16 = arith.addf %add3A, %add3A_15 : vector<512xf32>
    %rsqrt3A = math.rsqrt %add3A_16 : vector<512xf32>
    %broadcast_in_dim3A = vector.shape_cast %rsqrt3A : vector<512xf32> to vector<512x1xf32>
    %mul3A = vector.broadcast %broadcast_in_dim3A : vector<512x1xf32> to vector<512x128xf32>
    %mul3A_17 = arith.mulf %dot_general3A_5, %mul3A : vector<512x128xf32>
    %swap3A = arith.constant 0 : index
    %swap3A_18 = arith.constant 0 : index
    %swap3A_19 = vector.load %arg5[%swap3A, %swap3A_18] : memref<512x128xf32, #tpu.memory_space<vmem>>, vector<512x128xf32>
    tpu.vector_store %arg5[%swap3A, %swap3A_18], %mul3A_17 {strides = array<i32>} : memref<512x128xf32, #tpu.memory_space<vmem>>, vector<512x128xf32>,
    return
  }
  func.func @transform_0(%arg0: i32, %arg1: i32) -> (i32, i32) {
    %c0_i32 = arith.constant 0 : i32
    %c0_i32_0 = arith.constant 0 : i32
    return %arg0, %c0_i32 : i32, i32
  }
  func.func @transform_1(%arg0: i32, %arg1: i32) -> (i32, i32) {
    %c0_i32 = arith.constant 0 : i32
    %c0_i32_0 = arith.constant 0 : i32
    return %c0_i32, %arg1 : i32, i32
  }
  func.func @transform_2(%arg0: i32, %arg1: i32) -> (i32, i32) {
    %c0_i32 = arith.constant 0 : i32
    %c0_i32_0 = arith.constant 0 : i32
    return %c0_i32, %arg0 : i32, i32
  }
  func.func @transform_3(%arg0: i32, %arg1: i32) -> (i32, i32) {
    %mul3A = arith.constant 20 : i32
    %mul3A_0 = arith.muli %arg1, %mul3A : i32
    %add3A = arith.addi %mul3A_0, %arg0 : i32
    %c0_i32 = arith.constant 0 : i32
    %c0_i32_1 = arith.constant 0 : i32
    return %add3A, %c0_i32 : i32, i32
  }
}

module attributes {stable_mosaic.version = 14 : i64} {
  func.func @_ep_body(%arg0: i32, %arg1: i32, %arg2: memref<512x128xf32, #tpu.memory_space<vmem>>, %arg3: memref<512x128xf32, #tpu.memory_space<vmem>>, %arg4: memref<2x512xf32, #tpu.memory_space<vmem>>, %arg5: memref<1x128xf32, #tpu.memory_space<vmem>>, %arg6: memref<512x128xf32, #tpu.memory_space<vmem>>) attributes {dimension_semantics = [#tpu.dimension_semantics<arbitrary>, #tpu.dimension_semantics<arbitrary>], iteration_bounds = array<i64: 20, 2>, scalar_prefetch = 0 : i64, scratch_operands = 0 : i64, tpu.core_type = #tpu.core_type<tc>, window_params = [{transform_indices = @transform_0, window_bounds = array<i64: 512, 128>}, {transform_indices = @transform_1, window_bounds = array<i64: 512, 128>}, {transform_indices = @transform_2, window_bounds = array<i64: 2, 512>}, {transform_indices = @transform_3, window_bounds = array<i64: 1, 128>}, {transform_indices = @transform_4, window_bounds = array<i64: 512, 128>}]} {
    %get3A = arith.constant 0 : index
    %get3A_0 = arith.constant 0 : index
    %get3A_1 = vector.load %arg4[%get3A, %get3A_0] : memref<2x512xf32, #tpu.memory_space<vmem>>, vector<1x512xf32>
    %get3A_2 = vector.shape_cast %get3A_1 : vector<1x512xf32> to vector<512xf32>
    %get3A_3 = arith.constant 1 : index
    %get3A_4 = arith.constant 0 : index
    %get3A_5 = vector.load %arg4[%get3A_3, %get3A_4] : memref<2x512xf32, #tpu.memory_space<vmem>>, vector<1x512xf32>
    %get3A_6 = vector.shape_cast %get3A_5 : vector<1x512xf32> to vector<512xf32>
    %add3A = arith.addf %get3A_2, %get3A_6 : vector<512xf32>
    %add3A_7 = arith.constant 1.000000e+00 : f32
    %add3A_8 = vector.broadcast %add3A_7 : f32 to vector<512xf32>
    %add3A_9 = arith.addf %add3A, %add3A_8 : vector<512xf32>
    %rsqrt3A = math.rsqrt %add3A_9 : vector<512xf32>
    %get3A_10 = arith.constant 0 : index
    %get3A_11 = arith.constant 0 : index
    %get3A_12 = vector.load %arg2[%get3A_10, %get3A_11] : memref<512x128xf32, #tpu.memory_space<vmem>>, vector<512x128xf32>
    %get3A_13 = arith.constant 0 : index
    %get3A_14 = arith.constant 0 : index
    %get3A_15 = vector.load %arg3[%get3A_13, %get3A_14] : memref<512x128xf32, #tpu.memory_space<vmem>>, vector<512x128xf32>
    %add3A_16 = arith.addf %get3A_12, %get3A_15 : vector<512x128xf32>
    %broadcast_in_dim3A = vector.shape_cast %rsqrt3A : vector<512xf32> to vector<512x1xf32>
    %mul3A = vector.broadcast %broadcast_in_dim3A : vector<512x1xf32> to vector<512x128xf32>
    %mul3A_17 = arith.mulf %add3A_16, %mul3A : vector<512x128xf32>
    %get3A_18 = arith.constant 0 : index
    %get3A_19 = arith.constant 0 : index
    %get3A_20 = vector.load %arg5[%get3A_18, %get3A_19] : memref<1x128xf32, #tpu.memory_space<vmem>>, vector<1x128xf32>
    %add3A_21 = vector.broadcast %get3A_20 : vector<1x128xf32> to vector<512x128xf32>
    %add3A_22 = arith.addf %mul3A_17, %add3A_21 : vector<512x128xf32>
    %swap3A = arith.constant 0 : index
    %swap3A_23 = arith.constant 0 : index
    %swap3A_24 = vector.load %arg6[%swap3A, %swap3A_23] : memref<512x128xf32, #tpu.memory_space<vmem>>, vector<512x128xf32>
    tpu.vector_store %arg6[%swap3A, %swap3A_23], %add3A_22 {strides = array<i32>} : memref<512x128xf32, #tpu.memory_space<vmem>>, vector<512x128xf32>,
    return
  }
  func.func @transform_0(%arg0: i32, %arg1: i32) -> (i32, i32) {
    %mul3A = arith.constant 20 : i32
    %mul3A_0 = arith.muli %arg1, %mul3A : i32
    %add3A = arith.addi %mul3A_0, %arg0 : i32
    %c0_i32 = arith.constant 0 : i32
    %c0_i32_1 = arith.constant 0 : i32
    return %add3A, %c0_i32 : i32, i32
  }
  func.func @transform_1(%arg0: i32, %arg1: i32) -> (i32, i32) {
    %mul3A = arith.constant 20 : i32
    %mul3A_0 = arith.muli %arg1, %mul3A : i32
    %add3A = arith.addi %mul3A_0, %arg0 : i32
    %c0_i32 = arith.constant 0 : i32
    %c0_i32_1 = arith.constant 0 : i32
    return %add3A, %c0_i32 : i32, i32
  }
  func.func @transform_2(%arg0: i32, %arg1: i32) -> (i32, i32) {
    %c0_i32 = arith.constant 0 : i32
    %c0_i32_0 = arith.constant 0 : i32
    return %c0_i32, %arg0 : i32, i32
  }
  func.func @transform_3(%arg0: i32, %arg1: i32) -> (i32, i32) {
    %c0_i32 = arith.constant 0 : i32
    %c0_i32_0 = arith.constant 0 : i32
    return %c0_i32, %arg1 : i32, i32
  }
  func.func @transform_4(%arg0: i32, %arg1: i32) -> (i32, i32) {
    %c0_i32 = arith.constant 0 : i32
    return %arg0, %arg1 : i32, i32
  }
}

</mosaic_0001>

<sc_bundles>
// kernel: kernel.6.cloned.1.call-start
scs
__scs_entry_jumppad:
0x0: {  	(pc) =	sbr.rel $0x88, $3  }
0x1: {  	(tag) =	ssettag $0x0;
	lr =	simm.s32 $0x1  }
0x2: {  	[smem:$0x3F9D] =	sst lr;
	_ =	strace $0xD0000000  }
0x3: {  	_ = 	snop  }
0x4: {  	_ = 	snop  }
0x5: {  	_ = 	snop  }
0x6: {  	_ = 	snop  }
0x7: {  	_ = 	snop  }
__scs_overlays_trampoline_lowered:
0x8: {  	[smem:$0x3FAC] =	sst s0  }
0x9: {  	[smem:$0x3FAD] =	sst s1  }
0xa: {  	[smem:$0x3FAE] =	sst s2  }
0xb: {  	[smem:$0x3FAF] =	sst s3  }
0xc: {  	[smem:$0x3FB0] =	sst s4  }
0xd: {  	[smem:$0x3FB1] =	sst s5  }
0xe: {  	[smem:$0x3FB2] =	sst s6  }
0xf: {  	[smem:$0x3FB3] =	sst s7  }
0x10: {  	[smem:$0x3FB4] =	sst s8  }
0x11: {  	[smem:$0x3FB5] =	sst s9;
	s0 =	simm.s32 @!p0 $0x0  }
0x12: {  	s1 =	sld [smem:$0x3F9B];
	s0 =	simm.s32 @p0 $0x1  }
0x13: {  	[smem:$0x3FB6] =	sst s0;
	s0 =	simm.s32 @!p1 $0x0  }
0x14: {  	s2 =	sld [smem:$0x3F9A];
	s0 =	simm.s32 @p1 $0x1  }
0x15: {  	[smem:$0x3FB7] =	sst s0;
	s0 =	simm.s32 @!p2 $0x0  }
0x16: {  	s3 =	sld [smem:$0x3FDB];
	s0 =	simm.s32 @p2 $0x1  }
0x17: {  	s4 =	simm.s32 $0x1BF5;
	[smem:$0x3FB9] =	sst s0  }
0x18: {  	s0 =	sld [smem:$0x3F9C];
	_ =	swait.ge [sflag:s4], $0x0  }
0x19: {  	s7 =	sld [smem:$0x3F9D]  }
0x1a: {  	s8 =	sadd.s32 $0xFFFFE003, lr  }
0x1b: {  	s9 =	sadd.s32 $0xFFFFFEF7, lr;
	s5 =	simm.s32 $0xFFFFFFFF;
	p2 =	slt.u32 s8, $0xFFFFF086  }
0x1c: {  	p1 =	slt.u32 s9, $0xF7A;
	s5 =	simm.s32 @!p2 $0x0  }
0x1d: {  	s5 =	simm.s32 @p1 $0x1;
	p0 =	seq.s32 s7, s2  }
0x1e: {  	s7 =	smul.u32 @!p0 $0xF7A, s2;
	p2 =	seq.s32 @!p0 s5, $0x0  }
0x1f: {  	s9 =	smul.u32 $0xF7A, s1;
	s8 =	simm.s32 @!p0 $0x1BF5;
	p2 =	por !p2, p0  }
0x20: {  	[sflag:s8] =	ssyncset.s32 @!p0 $0xFFFFF086;
	s6 =	sadd.s32 @!p0 s3, s7;
	s7 =	simm.s32 @!p0 $0x108  }
0x21: {  	s3 =	sadd.s32 s3, s9;
	s6 =	sadd.s32 @!p0 $0x88, s6;
	s7 =	simm.s32 @p2 $0x1082  }
0x22: {  	[simem:s7], [sflag:s8] =	dma.local @!p0 [hbm:s6], $0xF7A  }
0x23: {  	s9 =	sor.u32 $0xD0000000, s2;
	s6 =	simm.s32 $0x108;
	_ =	swait.ge @!p0 [sflag:s8], $0x0  }
0x24: {  	s3 =	sadd.s32 $0x88, s3;
	s6 =	simm.s32 @!p1 $0x1082;
	[sflag:s4] =	ssyncset.s32 $0xFFFFF086  }
0x25: {  	[simem:s6], [sflag:s4] =	dma.local [hbm:s3], $0xF7A  }
0x26: {  	[smem:$0x3F9D] =	sst s1;
	(tag) =	ssettag s2;
	_ =	strace s9  }
0x27: {  	s1 =	sld [smem:$0x3FAD]  }
0x28: {  	s2 =	sld [smem:$0x3FAE]  }
0x29: {  	s4 =	sld [smem:$0x3FB0]  }
0x2a: {  	p0 =	seq.s32 s5, $0x0;
	s5 =	sld [smem:$0x3FB1]  }
0x2b: {  	s6 =	sld [smem:$0x3FB2]  }
0x2c: {  	s7 =	sld [smem:$0x3FB3]  }
0x2d: {  	s3 =	simm.s32 $0x108;
	s8 =	sld [smem:$0x3FB4]  }
0x2e: {  	s3 =	simm.s32 @!p0 $0x1082;
	s9 =	sld [smem:$0x3FB5]  }
0x2f: {  	lr =	sadd.s32 s0, s3;
	s0 =	sld [smem:$0x3FAC]  }
0x30: {  	s3 =	sld [smem:$0x3FAF]  }
0x31: {  	[smem:$0x3FB8] =	sst s10  }
0x32: {  	s10 =	sld [smem:$0x3FB6];
	_ =	sdelay $0x3  }
0x33: {  	p0 =	seq.s32 s10, $0x1;
	s10 =	sld [smem:$0x3FB8];
	_ =	sdelay $0x3  }
0x34: {  	[smem:$0x3FB8] =	sst s10  }
0x35: {  	s10 =	sld [smem:$0x3FB7];
	_ =	sdelay $0x3  }
0x36: {  	p1 =	seq.s32 s10, $0x1;
	s10 =	sld [smem:$0x3FB8];
	_ =	sdelay $0x3  }
0x37: {  	[smem:$0x3FB8] =	sst s10  }
0x38: {  	s10 =	sld [smem:$0x3FB9]  }
0x39: {  	_ = 	snop;
	(pc) =	sbr.ind lr, $3  }
0x3a: {  	_ = 	snop  }
0x3b: {  	_ = 	snop  }
0x3c: {  	p2 =	seq.s32 s10, $0x1;
	s10 =	sld [smem:$0x3FB8]  }
0x3d: {  	_ =	shalt  }
0x3e: {  	_ =	shalt  }
0x3f: {  	_ =	shalt  }
0x40: {  	_ =	shalt  }
0x41: {  	_ =	shalt  }
0x42: {  	_ =	shalt  }
0x43: {  	_ =	shalt  }
0x44: {  	_ =	shalt  }
0x45: {  	_ =	shalt  }
0x46: {  	_ =	shalt  }
0x47: {  	_ =	shalt  }
0x48: {  	_ =	shalt  }
0x49: {  	_ =	shalt  }
0x4a: {  	_ =	shalt  }
0x4b: {  	_ =	shalt  }
0x4c: {  	_ =	shalt  }
0x4d: {  	_ =	shalt  }
0x4e: {  	_ =	shalt  }
0x4f: {  	_ =	shalt  }
0x50: {  	_ =	shalt  }
0x51: {  	_ =	shalt  }
0x52: {  	_ =	shalt  }
0x53: {  	_ =	shalt  }
0x54: {  	_ =	shalt  }
0x55: {  	_ =	shalt  }
0x56: {  	_ =	shalt  }
0x57: {  	_ =	shalt  }
0x58: {  	_ =	shalt  }
0x59: {  	_ =	shalt  }
0x5a: {  	_ =	shalt  }
0x5b: {  	_ =	shalt  }
0x5c: {  	_ =	shalt  }
0x5d: {  	_ =	shalt  }
0x5e: {  	_ =	shalt  }
0x5f: {  	_ =	shalt  }
0x60: {  	_ =	shalt  }
0x61: {  	_ =	shalt  }
0x62: {  	_ =	shalt  }
0x63: {  	_ =	shalt  }
0x64: {  	_ =	shalt  }
0x65: {  	_ =	shalt  }
0x66: {  	_ =	shalt  }
0x67: {  	_ =	shalt  }
0x68: {  	_ =	shalt  }
0x69: {  	_ =	shalt  }
0x6a: {  	_ =	shalt  }
0x6b: {  	_ =	shalt  }
0x6c: {  	_ =	shalt  }
0x6d: {  	_ =	shalt  }
0x6e: {  	_ =	shalt  }
0x6f: {  	_ =	shalt  }
0x70: {  	_ =	shalt  }
0x71: {  	_ =	shalt  }
0x72: {  	_ =	shalt  }
0x73: {  	_ =	shalt  }
0x74: {  	_ =	shalt  }
0x75: {  	_ =	shalt  }
0x76: {  	_ =	shalt  }
0x77: {  	_ =	shalt  }
0x78: {  	_ =	shalt  }
0x79: {  	_ =	shalt  }
0x7a: {  	_ =	shalt  }
0x7b: {  	_ =	shalt  }
0x7c: {  	_ =	shalt  }
0x7d: {  	_ =	shalt  }
0x7e: {  	_ =	shalt  }
0x7f: {  	_ =	shalt  }
0x80: {  	_ =	shalt  }
0x81: {  	_ =	shalt  }
0x82: {  	_ =	shalt  }
0x83: {  	_ =	shalt  }
0x84: {  	_ =	shalt  }
0x85: {  	_ =	shalt  }
0x86: {  	_ =	shalt  }
0x87: {  	_ =	shalt  }
.Lfunc_end0:
.L_simem_size_0:
called_computation_lowered:
.L_overlay_start_0:
0x88: {  	s2 =	sld [smem:$0x3FD9]  }
0x89: {  	s3 =	sld [smem:$0x3FFE];
	_ =	sdelay $0x1  }
0x8a: {  	s1 =	srdreg.scid  }
0x8b: {  	s0 =	sand.u32 $0x1, s1  }
0x8c: {  	s16 =	sshll.u32 s0, $0xA;
	s2 =	sadd.s32 s3, s2  }
0x8d: {  	s2 =	sadd.s32 s2, s16  }
0x8e: {  	[smem:$0x3FC4] =	sst s2  }
0x8f: {  	_ = 	snop  }
0x90: {  	(tm) =	ssettm $0x1  }
0x91: {  	s17 =	sld [smem:$0x3FFB];
	_ =	sdelay $0x3  }
0x92: {  	_ =	strace s17  }
0x93: {  	s2 =	sld [smem:$0x3FFC];
	_ =	sdelay $0x3  }
0x94: {  	_ =	strace s2  }
0x95: {  	s2 =	sld [smem:$0x3FFD];
	_ =	sdelay $0x3  }
0x96: {  	_ =	strace s2  }
0x97: {  	_ =	strace $0x8FFFFFFF  }
0x98: {  	s18 =	sld [smem:$0x3FDB];
	_ =	sdelay $0x1  }
0x99: {  	s19 =	simm.s32 $_scs_section_size  }
0x9a: {  	s4 =	simm.s32 $_size__tile_overlayer_lowered;
	s5 =	simm.s32 $_tile_overlayer_lowered  }
0x9b: {  	s22 =	simm.s32 $0x1BFF;
	s21 =	sshll.u32 s5, $0x1;
	s2 =	sadd.s32 s19, s18  }
0x9c: {  	s6 =	simm.s32 $0x0;
	s20 =	sshll.u32 s4, $0x1;
	s4 =	sadd.s32 s21, s2  }
0x9d: {  	[timem:s6], [sflag:s22] =	dma.local [hbm:s4], s20  }
0x9e: {  	_ =	swait.ge [sflag:s22], s20  }
0x9f: {  	s3 =	ssub.s32 $0x0, s20;
	[sflag:s22] =	ssyncset.done $0x0  }
0xa0: {  	[sflag:s22] =	ssyncadd.s32 s3;
	_ =	sdelay $0x1  }
0xa1: {  	s23 =	simm.s32 $0x1B8B  }
0xa2: {  	_ =	swait.ge [sflag:s23], $0x1  }
0xa3: {  	[sflag:s23] =	ssyncset.done $0x0  }
0xa4: {  	s25 =	simm.s32 $0x1B8E;
	s24 =	sld [smem:$0x3FFE];
	[sflag:s23] =	ssyncadd.s32 $0xFFFFFFFF  }
0xa5: {  	s26 =	simm.s32 $execute0_lowered;
	[smem:$0x3FD2] =	sst s25  }
0xa6: {  	s4 =	sshll.u32 s26, $0x1;
	_ =	strace $0x80000046;
	[dreg:$0x1] =	wrdreg $0xFFFFFFFF  }
0xa7: {  	s28 =	simm.s32 $_size_execute0_lowered;
	s2 =	sadd.s32 s2, s4;
	[dreg:$0x0] =	wrdreg $0x0  }
0xa8: {  	s4 =	sshll.u32 s28, $0x1;
	[dreg:$0x2] =	wrdreg s2  }
0xa9: {  	[dreg:$0x3] =	wrdreg s4  }
0xaa: {  	[dreg:$0x4] =	wrdreg $0xC0  }
0xab: {  	_ =	task [dreg:s6], $0x5FFFF  }
0xac: {  	[dreg:$0x1] =	wrdreg $0xFFFFFFFF  }
0xad: {  	[dreg:$0x0] =	wrdreg $0x60  }
0xae: {  	[dreg:$0x2] =	wrdreg s24  }
0xaf: {  	[dreg:$0x3] =	wrdreg $0x14800  }
0xb0: {  	[dreg:$0x4] =	wrdreg $0x9  }
0xb1: {  	_ =	task.clear_ibuf [dreg:s6], $0x5FFFF;
	_ =	strace $0x90000046  }
0xb2: {  	s29 =	simm.s32 $0x9;
	_ =	strace $0x80000048  }
0xb3: {  	_ =	swait.ge [sflag:s29], $0x1  }
0xb4: {  	[sflag:s29] =	ssyncadd.s32 $0xFFFFFFFF  }
0xb5: {  	_ =	strace $0x90000048  }
0xb6: {  	_ =	sfence  }
0xb7: {  	s30 =	sld [smem:$0x0];
	_ =	sdelay $0x2  }
0xb8: {  	s31 =	sshll.u32 s1, $0xD;
	s1 =	sshrl.u32 s1, $0x2  }
0xb9: {  	s3 =	sand.u32 $0x4000, s31;
	s1 =	sadd.s32 s1, s30  }
0xba: {  	s0 =	sor.u32 s3, s0;
	s1 =	sshll.u32 s1, $0x11  }
0xbb: {  	s0 =	sor.u32 s1, s0  }
0xbc: {  	s0 =	sadd.s32 $0x8F2B, s0  }
0xbd: {  	[sflag:s0] =	ssyncadd.remote.s32 $0x1  }
0xbe: {  	_ =	sfence.sel $0xFFFF  }
0xbf: {  	[dreg:$0x0] =	wrdreg $0xFFFFFFFF;
	(pc) =	sbr.abs _section_cstart, $3  }
0xc0: {  	[dreg:$0x1] =	wrdreg $0xFFFFFFFF  }
0xc1: {  	_ =	task.clear_ibuf [dreg:s6], $0x2FFFF;
	_ =	strace $0x9FFFFFFF  }
0xc2: {  	(tm) =	ssettm $0x7FFFFFFF  }
0xc3: {  	_ =	shalt  }
tec
execute0_lowered:
.L_overlay_start_1:
0x0: {  	(tag) =	ssettag $0x1  }
0x1: {  	s0 =	srdreg.scid;
	s6 =	rddreg [dreg:$0x0]  }
0x2: {  	s2 =	rddreg [dreg:$0x1];
	s3 =	simm.s32 $0x0;
	s13 =	simm.s32 $0x1  }
0x3: {  	s14 =	simm.s32 $0x80;
	s4 =	sand.u32 $0x1, s0;
	s0 =	stileid.u32  }
0x4: {  	s15 =	simm.s32 $0x0;
	[smem:$0x7FF] =	sst s3;
	s7 =	smul.u32 $0x280, s0  }
0x5: {  	s1 =	sshll.u32 s4, $0x4;
	s8 =	smul.u32 $0x2800, s4;
	s30 =	ssub.s32 $0x2, s4  }
0x6: {  	s4 =	sadd.s32 $0x5A00, s6;
	s31 =	sshll.u32 s0, $0x6;
	s1 =	sor.u32 s0, s1  }
0x7: {  	s11 =	sshrl.u32 s30, $0x1;
	s5 =	smul.u32 $0x280, s1;
	s1 =	rddreg [dreg:$0x2]  }
0x8: {  	_ =	strace $0x80000047;
	s29 =	sadd.s32 s7, s8;
	s11 =	ssub.s32 s30, s11  }
0x9: {  	s12 =	sadd.s32 s7, s2;
	s7 =	sor.u32 $0x1C02, s31;
	s10 =	sshrl.u32 s29, $0x3  }
0xa: {  	s9 =	sadd.s32 s5, s6;
	s5 =	sadd.s32 $0x5800, s6;
	s10 =	sadd.s32 s10, s6  }
0xb: {  	s6 =	sadd.s32 $0x800, s9;
	s8 =	sadd.s32 $0x5C00, s10;
	s9 =	smax.u32 s11, $0x1  }
0xc: {  	s10 =	sshrl.u32 s12, $0x3;
	s11 =	simm.s32 $0x2;
	s12 =	simm.s32 $0x1400  }
.LBB2_1:
0xd: {  	[tilespmem:s3], [sflag:$0x1] =	stream.linear.gather [hbm4b:s6+s3], $0x1400, $0x38;
	[tilespmem:$0x1700] =	vst v63  }
0xe: {  	[spmem:s10], [sflag:s7] =	dma.local [hbm:s4], $0x50  }
0xf: {  	_ =	swait.ge [sflag:s11], $0x50  }
0x10: {  	[sflag:s11] =	ssyncset.done $0x0  }
0x11: {  	[sflag:s11] =	ssyncadd.s32 $0xFFFFFFB0  }
0x12: {  	[tilespmem:s12], [sflag:$0x2] =	stream.linear.gather [hbm4b:s5+s3], $0x80, $0x38;
	[tilespmem:$0x1700] =	vst v63  }
0x13: {  	_ =	swait.ge [sflag:s11], $0x80  }
0x14: {  	[sflag:s11] =	ssyncset.done $0x0  }
0x15: {  	[sflag:s11] =	ssyncadd.s32 $0xFFFFFF80  }
0x16: {  	_ =	swait.ge [sflag:s13], $0x1400  }
0x17: {  	[sflag:s13] =	ssyncset.done $0x0  }
0x18: {  	[sflag:s13] =	ssyncadd.s32 $0xFFFFEC00  }
0x19: {  	s16 =	simm.s32 $0x0;
	[bflag:$0x0] =	sbarrier.arrive $0xFFFF  }
0x1a: {  	[spmem:s2] =	stream.indirect.scatter.add.f32 [tilespmem:s12], [sflag:$0x2], $0x1, s16, s14, $0xb8;
	[tilespmem:$0x1700] =	vst v63  }
0x1b: {  	_ =	swait.ge [sflag:s11], $0x80  }
0x1c: {  	s16 =	simm.s32 $0x200;
	[sflag:s11] =	ssyncset.done $0x0  }
.LBB2_2:
0x1d: {  	s17 =	sshra.s32 s16, $0x2;
	[sflag:s11] =	ssyncadd.s32 $0xFFFFFF80;
	p0 =	sne.s32 s16, $0x4E00  }
0x1e: {  	[spmem:s2] =	stream.indirect.scatter.add.f32 [tilespmem:s12], [sflag:$0x2], $0x1, s17, s14, $0xb8;
	[tilespmem:$0x1700] =	vst v63  }
.Ltmp0:
0x1f: {  	_ = 	snop;
	(pc) =	sbr.rel @p0 .LBB2_2-.Ltmp0, $4  }
0x20: {  	_ = 	snop  }
0x21: {  	s16 =	sadd.s32 $0x200, s16  }
0x22: {  	_ =	swait.ge [sflag:s11], $0x80  }
0x23: {  	[sflag:s11] =	ssyncset.done $0x0  }
0x24: {  	s15 =	sadd.s32 $0x1, s15  }
0x25: {  	[sflag:s11] =	ssyncadd.s32 $0xFFFFFF80;
	p0 =	sne.s32 s15, s9  }
.Ltmp1:
0x26: {  	[bflag:$0x0] =	sbarrier.arrive $0xFFFF;
	(pc) =	sbr.rel @p0 .LBB2_1-.Ltmp1, $4  }
0x27: {  	[hbm:s8], [sflag:s7] =	dma.local [spmem:s10], $0x50  }
0x28: {  	_ =	swait.ge [sflag:s11], $0x50  }
0x29: {  	[sflag:s11] =	ssyncset.done $0x0  }
0x2a: {  	[sflag:s11] =	ssyncadd.s32 $0xFFFFFFB0  }
0x2b: {  	_ =	sfence.sel $0x180000  }
0x2c: {  	[bflag:$0x0] =	sbarrier.arrive $0xFFFF  }
0x2d: {  	p0 =	sne.s32 s0, $0x0;
	_ =	strace $0x90000047  }
0x2e: {  	s0 =	sadd.s32 @!p0 $0x100000, s1;
	[bflag:$0x2] =	sbarrier.arrive $0xFFFF  }
0x2f: {  	[sflag:s0] =	ssyncadd.tile.s32 @!p0 $0x1;
	_ =	shalt  }
.Lfunc_end2:
_tile_overlayer_lowered:
.L_overlay_start_2:
0x30: {  	(tag) =	ssettag $0x2  }
0x31: {  	s0 =	rddreg [dreg:$0x0];
	s2 =	stileid.u32  }
0x32: {  	s1 =	rddreg [dreg:$0x1];
	p0 =	sne.s32 s2, $0x0  }
0x33: {  	s3 =	rddreg [dreg:$0x2];
	[bflag:$0x3] =	sbarrier.arrive $0xFFFF;
	s2 =	simm.s32 @!p0 $0x1C02  }
0x34: {  	[timem:s3], [sflag:s2] =	dma.local @!p0 [hbm:s0], s1  }
0x35: {  	s0 =	simm.s32 @!p0 $0x2  }
0x36: {  	_ =	swait.ge @!p0 [sflag:s0], s1  }
0x37: {  	s1 =	ssub.s32 @!p0 $0x0, s1;
	[sflag:s0] =	ssyncset.done @!p0 $0x0  }
0x38: {  	[sflag:s0] =	ssyncadd.s32 @!p0 s1  }
0x39: {  	[bflag:$0x3] =	sbarrier.arrive $0xFFFF  }
0x3a: {  	_ =	shalt  }

// kernel: kernel.9.cloned.1.call-start
scs
__scs_entry_jumppad:
0x0: {  	(pc) =	sbr.rel $0x88, $3  }
0x1: {  	(tag) =	ssettag $0x0;
	lr =	simm.s32 $0x1  }
0x2: {  	[smem:$0x3F9D] =	sst lr;
	_ =	strace $0xD0000000  }
0x3: {  	_ = 	snop  }
0x4: {  	_ = 	snop  }
0x5: {  	_ = 	snop  }
0x6: {  	_ = 	snop  }
0x7: {  	_ = 	snop  }
__scs_overlays_trampoline_lowered:
0x8: {  	[smem:$0x3FAC] =	sst s0  }
0x9: {  	[smem:$0x3FAD] =	sst s1  }
0xa: {  	[smem:$0x3FAE] =	sst s2  }
0xb: {  	[smem:$0x3FAF] =	sst s3  }
0xc: {  	[smem:$0x3FB0] =	sst s4  }
0xd: {  	[smem:$0x3FB1] =	sst s5  }
0xe: {  	[smem:$0x3FB2] =	sst s6  }
0xf: {  	[smem:$0x3FB3] =	sst s7  }
0x10: {  	[smem:$0x3FB4] =	sst s8  }
0x11: {  	[smem:$0x3FB5] =	sst s9;
	s0 =	simm.s32 @!p0 $0x0  }
0x12: {  	s1 =	sld [smem:$0x3F9B];
	s0 =	simm.s32 @p0 $0x1  }
0x13: {  	[smem:$0x3FB6] =	sst s0;
	s0 =	simm.s32 @!p1 $0x0  }
0x14: {  	s2 =	sld [smem:$0x3F9A];
	s0 =	simm.s32 @p1 $0x1  }
0x15: {  	[smem:$0x3FB7] =	sst s0;
	s0 =	simm.s32 @!p2 $0x0  }
0x16: {  	s3 =	sld [smem:$0x3FDB];
	s0 =	simm.s32 @p2 $0x1  }
0x17: {  	s4 =	simm.s32 $0x1BF5;
	[smem:$0x3FB9] =	sst s0  }
0x18: {  	s0 =	sld [smem:$0x3F9C];
	_ =	swait.ge [sflag:s4], $0x0  }
0x19: {  	s7 =	sld [smem:$0x3F9D]  }
0x1a: {  	s8 =	sadd.s32 $0xFFFFE003, lr  }
0x1b: {  	s9 =	sadd.s32 $0xFFFFFEF7, lr;
	s5 =	simm.s32 $0xFFFFFFFF;
	p2 =	slt.u32 s8, $0xFFFFF086  }
0x1c: {  	p1 =	slt.u32 s9, $0xF7A;
	s5 =	simm.s32 @!p2 $0x0  }
0x1d: {  	s5 =	simm.s32 @p1 $0x1;
	p0 =	seq.s32 s7, s2  }
0x1e: {  	s7 =	smul.u32 @!p0 $0xF7A, s2;
	p2 =	seq.s32 @!p0 s5, $0x0  }
0x1f: {  	s9 =	smul.u32 $0xF7A, s1;
	s8 =	simm.s32 @!p0 $0x1BF5;
	p2 =	por !p2, p0  }
0x20: {  	[sflag:s8] =	ssyncset.s32 @!p0 $0xFFFFF086;
	s6 =	sadd.s32 @!p0 s3, s7;
	s7 =	simm.s32 @!p0 $0x108  }
0x21: {  	s3 =	sadd.s32 s3, s9;
	s6 =	sadd.s32 @!p0 $0x88, s6;
	s7 =	simm.s32 @p2 $0x1082  }
0x22: {  	[simem:s7], [sflag:s8] =	dma.local @!p0 [hbm:s6], $0xF7A  }
0x23: {  	s9 =	sor.u32 $0xD0000000, s2;
	s6 =	simm.s32 $0x108;
	_ =	swait.ge @!p0 [sflag:s8], $0x0  }
0x24: {  	s3 =	sadd.s32 $0x88, s3;
	s6 =	simm.s32 @!p1 $0x1082;
	[sflag:s4] =	ssyncset.s32 $0xFFFFF086  }
0x25: {  	[simem:s6], [sflag:s4] =	dma.local [hbm:s3], $0xF7A  }
0x26: {  	[smem:$0x3F9D] =	sst s1;
	(tag) =	ssettag s2;
	_ =	strace s9  }
0x27: {  	s1 =	sld [smem:$0x3FAD]  }
0x28: {  	s2 =	sld [smem:$0x3FAE]  }
0x29: {  	s4 =	sld [smem:$0x3FB0]  }
0x2a: {  	p0 =	seq.s32 s5, $0x0;
	s5 =	sld [smem:$0x3FB1]  }
0x2b: {  	s6 =	sld [smem:$0x3FB2]  }
0x2c: {  	s7 =	sld [smem:$0x3FB3]  }
0x2d: {  	s3 =	simm.s32 $0x108;
	s8 =	sld [smem:$0x3FB4]  }
0x2e: {  	s3 =	simm.s32 @!p0 $0x1082;
	s9 =	sld [smem:$0x3FB5]  }
0x2f: {  	lr =	sadd.s32 s0, s3;
	s0 =	sld [smem:$0x3FAC]  }
0x30: {  	s3 =	sld [smem:$0x3FAF]  }
0x31: {  	[smem:$0x3FB8] =	sst s10  }
0x32: {  	s10 =	sld [smem:$0x3FB6];
	_ =	sdelay $0x3  }
0x33: {  	p0 =	seq.s32 s10, $0x1;
	s10 =	sld [smem:$0x3FB8];
	_ =	sdelay $0x3  }
0x34: {  	[smem:$0x3FB8] =	sst s10  }
0x35: {  	s10 =	sld [smem:$0x3FB7];
	_ =	sdelay $0x3  }
0x36: {  	p1 =	seq.s32 s10, $0x1;
	s10 =	sld [smem:$0x3FB8];
	_ =	sdelay $0x3  }
0x37: {  	[smem:$0x3FB8] =	sst s10  }
0x38: {  	s10 =	sld [smem:$0x3FB9]  }
0x39: {  	_ = 	snop;
	(pc) =	sbr.ind lr, $3  }
0x3a: {  	_ = 	snop  }
0x3b: {  	_ = 	snop  }
0x3c: {  	p2 =	seq.s32 s10, $0x1;
	s10 =	sld [smem:$0x3FB8]  }
0x3d: {  	_ =	shalt  }
0x3e: {  	_ =	shalt  }
0x3f: {  	_ =	shalt  }
0x40: {  	_ =	shalt  }
0x41: {  	_ =	shalt  }
0x42: {  	_ =	shalt  }
0x43: {  	_ =	shalt  }
0x44: {  	_ =	shalt  }
0x45: {  	_ =	shalt  }
0x46: {  	_ =	shalt  }
0x47: {  	_ =	shalt  }
0x48: {  	_ =	shalt  }
0x49: {  	_ =	shalt  }
0x4a: {  	_ =	shalt  }
0x4b: {  	_ =	shalt  }
0x4c: {  	_ =	shalt  }
0x4d: {  	_ =	shalt  }
0x4e: {  	_ =	shalt  }
0x4f: {  	_ =	shalt  }
0x50: {  	_ =	shalt  }
0x51: {  	_ =	shalt  }
0x52: {  	_ =	shalt  }
0x53: {  	_ =	shalt  }
0x54: {  	_ =	shalt  }
0x55: {  	_ =	shalt  }
0x56: {  	_ =	shalt  }
0x57: {  	_ =	shalt  }
0x58: {  	_ =	shalt  }
0x59: {  	_ =	shalt  }
0x5a: {  	_ =	shalt  }
0x5b: {  	_ =	shalt  }
0x5c: {  	_ =	shalt  }
0x5d: {  	_ =	shalt  }
0x5e: {  	_ =	shalt  }
0x5f: {  	_ =	shalt  }
0x60: {  	_ =	shalt  }
0x61: {  	_ =	shalt  }
0x62: {  	_ =	shalt  }
0x63: {  	_ =	shalt  }
0x64: {  	_ =	shalt  }
0x65: {  	_ =	shalt  }
0x66: {  	_ =	shalt  }
0x67: {  	_ =	shalt  }
0x68: {  	_ =	shalt  }
0x69: {  	_ =	shalt  }
0x6a: {  	_ =	shalt  }
0x6b: {  	_ =	shalt  }
0x6c: {  	_ =	shalt  }
0x6d: {  	_ =	shalt  }
0x6e: {  	_ =	shalt  }
0x6f: {  	_ =	shalt  }
0x70: {  	_ =	shalt  }
0x71: {  	_ =	shalt  }
0x72: {  	_ =	shalt  }
0x73: {  	_ =	shalt  }
0x74: {  	_ =	shalt  }
0x75: {  	_ =	shalt  }
0x76: {  	_ =	shalt  }
0x77: {  	_ =	shalt  }
0x78: {  	_ =	shalt  }
0x79: {  	_ =	shalt  }
0x7a: {  	_ =	shalt  }
0x7b: {  	_ =	shalt  }
0x7c: {  	_ =	shalt  }
0x7d: {  	_ =	shalt  }
0x7e: {  	_ =	shalt  }
0x7f: {  	_ =	shalt  }
0x80: {  	_ =	shalt  }
0x81: {  	_ =	shalt  }
0x82: {  	_ =	shalt  }
0x83: {  	_ =	shalt  }
0x84: {  	_ =	shalt  }
0x85: {  	_ =	shalt  }
0x86: {  	_ =	shalt  }
0x87: {  	_ =	shalt  }
.Lfunc_end0:
.L_simem_size_0:
called_computation.1_lowered:
.L_overlay_start_0:
0x88: {  	s2 =	sld [smem:$0x3FD9]  }
0x89: {  	s3 =	sld [smem:$0x3FFE];
	_ =	sdelay $0x1  }
0x8a: {  	s1 =	srdreg.scid  }
0x8b: {  	s0 =	sand.u32 $0x1, s1  }
0x8c: {  	s17 =	sshll.u32 s0, $0xA;
	s2 =	sadd.s32 s3, s2  }
0x8d: {  	s2 =	sadd.s32 s2, s17  }
0x8e: {  	[smem:$0x3FC4] =	sst s2  }
0x8f: {  	_ = 	snop  }
0x90: {  	s2 =	sld [smem:$0x3FD0];
	(tm) =	ssettm $0x1  }
0x91: {  	s18 =	sld [smem:$0x3FFB];
	_ =	sdelay $0x3  }
0x92: {  	_ =	strace s18  }
0x93: {  	s3 =	sld [smem:$0x3FFC];
	_ =	sdelay $0x3  }
0x94: {  	_ =	strace s3  }
0x95: {  	s3 =	sld [smem:$0x3FFD];
	_ =	sdelay $0x3  }
0x96: {  	_ =	strace s3  }
0x97: {  	_ =	strace $0x8FFFFFFF  }
0x98: {  	s19 =	sld [smem:$0x3FDB];
	_ =	sdelay $0x1  }
0x99: {  	s4 =	simm.s32 $_scs_section_size  }
0x9a: {  	s5 =	simm.s32 $_size__tile_overlayer_lowered;
	s6 =	simm.s32 $_tile_overlayer_lowered  }
0x9b: {  	s22 =	simm.s32 $0x1BFF;
	s21 =	sshll.u32 s6, $0x1;
	s3 =	sadd.s32 s4, s19  }
0x9c: {  	s7 =	simm.s32 $0x0;
	s20 =	sshll.u32 s5, $0x1;
	s5 =	sadd.s32 s21, s3  }
0x9d: {  	[timem:s7], [sflag:s22] =	dma.local [hbm:s5], s20  }
0x9e: {  	_ =	swait.ge [sflag:s22], s20  }
0x9f: {  	s4 =	ssub.s32 $0x0, s20;
	[sflag:s22] =	ssyncset.done $0x0  }
0xa0: {  	[sflag:s22] =	ssyncadd.s32 s4;
	_ =	sdelay $0x1  }
0xa1: {  	s23 =	simm.s32 $0x1B8B  }
0xa2: {  	_ =	swait.ge [sflag:s23], $0x1  }
0xa3: {  	[sflag:s23] =	ssyncset.done $0x0  }
0xa4: {  	s25 =	simm.s32 $0x1B8E;
	s24 =	sld [smem:$0x3FFE];
	[sflag:s23] =	ssyncadd.s32 $0xFFFFFFFF  }
0xa5: {  	s26 =	simm.s32 $execute0_lowered;
	[smem:$0x3FD2] =	sst s25  }
0xa6: {  	s5 =	sshll.u32 s26, $0x1;
	_ =	strace $0x80000049;
	[dreg:$0x1] =	wrdreg $0xFFFFFFFF  }
0xa7: {  	s28 =	simm.s32 $_size_execute0_lowered;
	s3 =	sadd.s32 s3, s5;
	[dreg:$0x0] =	wrdreg $0x0  }
0xa8: {  	s5 =	sshll.u32 s28, $0x1;
	[dreg:$0x2] =	wrdreg s3  }
0xa9: {  	[dreg:$0x3] =	wrdreg s5  }
0xaa: {  	[dreg:$0x4] =	wrdreg $0xC0  }
0xab: {  	_ =	task [dreg:s7], $0x5FFFF  }
0xac: {  	[dreg:$0x1] =	wrdreg $0xFFFFFFFF  }
0xad: {  	[dreg:$0x0] =	wrdreg $0x60  }
0xae: {  	[dreg:$0x2] =	wrdreg s24  }
0xaf: {  	[dreg:$0x3] =	wrdreg s2  }
0xb0: {  	[dreg:$0x4] =	wrdreg $0x90000  }
0xb1: {  	[dreg:$0x5] =	wrdreg $0x9  }
0xb2: {  	_ =	task.clear_ibuf [dreg:s7], $0x6FFFF;
	_ =	strace $0x90000049  }
0xb3: {  	s29 =	simm.s32 $0x9;
	_ =	strace $0x8000004B  }
0xb4: {  	_ =	swait.ge [sflag:s29], $0x1  }
0xb5: {  	[sflag:s29] =	ssyncadd.s32 $0xFFFFFFFF  }
0xb6: {  	_ =	strace $0x9000004B  }
0xb7: {  	_ =	sfence  }
0xb8: {  	s30 =	sld [smem:$0x0];
	_ =	sdelay $0x2  }
0xb9: {  	s31 =	sshll.u32 s1, $0xD;
	s1 =	sshrl.u32 s1, $0x2  }
0xba: {  	s3 =	sand.u32 $0x4000, s31;
	s1 =	sadd.s32 s1, s30  }
0xbb: {  	s0 =	sor.u32 s3, s0;
	s1 =	sshll.u32 s1, $0x11  }
0xbc: {  	s0 =	sor.u32 s1, s0  }
0xbd: {  	s0 =	sadd.s32 $0x8F2B, s0  }
0xbe: {  	[sflag:s0] =	ssyncadd.remote.s32 $0x1  }
0xbf: {  	_ =	sfence.sel $0xFFFF  }
0xc0: {  	[dreg:$0x0] =	wrdreg $0xFFFFFFFF;
	(pc) =	sbr.abs _section_cstart, $3  }
0xc1: {  	[dreg:$0x1] =	wrdreg $0xFFFFFFFF  }
0xc2: {  	_ =	task.clear_ibuf [dreg:s7], $0x2FFFF;
	_ =	strace $0x9FFFFFFF  }
0xc3: {  	(tm) =	ssettm $0x7FFFFFFF  }
tec
execute0_lowered:
.L_overlay_start_1:
0x0: {  	(tag) =	ssettag $0x1  }
0x1: {  	s6 =	rddreg [dreg:$0x0]  }
0x2: {  	s7 =	rddreg [dreg:$0x1]  }
0x3: {  	s2 =	rddreg [dreg:$0x2]  }
0x4: {  	s0 =	rddreg [dreg:$0x3]  }
0x5: {  	s3 =	simm.s32 $0x0;
	s1 =	stileid.u32;
	s4 =	srdreg.scid  }
0x6: {  	s14 =	simm.s32 $0x80;
	s15 =	simm.s32 $0x5000;
	s16 =	simm.s32 $0x1  }
0x7: {  	s17 =	simm.s32 $0x0;
	[smem:$0x7FF] =	sst s3;
	s5 =	smul.u32 $0x500, s1  }
0x8: {  	s8 =	sand.u32 $0x1, s4;
	s9 =	smul.u32 $0x2800, s1;
	s4 =	sadd.s32 $0x5800, s6  }
0x9: {  	s13 =	smul.u32 $0x50000, s1;
	s31 =	sshll.u32 s1, $0x6;
	_ =	strace $0x8000004A  }
0xa: {  	s10 =	sshll.u32 s8, $0x4;
	s11 =	smul.u32 $0x28000, s8;
	s8 =	ssub.s32 $0x2, s8  }
0xb: {  	s10 =	sor.u32 s1, s10;
	s12 =	sadd.s32 s5, s6;
	s29 =	sshrl.u32 s8, $0x1  }
0xc: {  	s5 =	sadd.s32 $0x55800, s6;
	s30 =	sshrl.u32 s13, $0x2;
	s10 =	smul.u32 $0x500, s10  }
0xd: {  	s9 =	sadd.s32 s9, s11;
	s11 =	ssub.s32 s8, s29;
	s13 =	sadd.s32 s30, s2  }
0xe: {  	s9 =	sadd.s32 s9, s6;
	s13 =	sshrl.u32 s13, $0x3;
	s6 =	sadd.s32 s7, s10  }
0xf: {  	s7 =	sadd.s32 $0x800, s12;
	s8 =	sadd.s32 $0x58000, s9;
	s9 =	smax.u32 s11, $0x1  }
0x10: {  	s10 =	simm.s32 $0x2;
	s11 =	simm.s32 $0x2800;
	s12 =	sor.u32 $0x1C02, s31  }
.LBB2_1:
0x11: {  	[tilespmem:s3], [sflag:$0x2] =	stream.linear.gather [hbm4b:s6+s3], $0x2800, $0x38;
	[tilespmem:$0x1D000] =	vst v63  }
0x12: {  	_ =	swait.ge [sflag:s10], $0x2800  }
0x13: {  	[sflag:s10] =	ssyncset.done $0x0  }
0x14: {  	[sflag:s10] =	ssyncadd.s32 $0xFFFFD800  }
0x15: {  	[tilespmem:s11], [sflag:$0x2] =	stream.linear.gather [hbm4b:s7+s3], $0x2800, $0x38;
	[tilespmem:$0x1D000] =	vst v63  }
0x16: {  	_ =	swait.ge [sflag:s10], $0x2800  }
0x17: {  	[sflag:s10] =	ssyncset.done $0x0  }
0x18: {  	[sflag:s10] =	ssyncadd.s32 $0xFFFFD800  }
0x19: {  	[spmem:s13], [sflag:s12] =	dma.local [hbm:s5], $0x2800  }
0x1a: {  	_ =	swait.ge [sflag:s10], $0x2800  }
0x1b: {  	[sflag:s10] =	ssyncset.done $0x0  }
0x1c: {  	[sflag:s10] =	ssyncadd.s32 $0xFFFFD800  }
0x1d: {  	s18 =	simm.s32 $0x0;
	[bflag:$0x0] =	sbarrier.arrive $0xFFFF  }
0x1e: {  	[tilespmem:s15], [sflag:$0x1] =	stream.indirect.gather [hbm4b:s4+s14], $0x80, s18, s14, $0xb8;
	[tilespmem:$0x1D000] =	vst v63  }
0x1f: {  	_ =	swait.ge [sflag:s16], $0x4000  }
0x20: {  	[sflag:s16] =	ssyncset.done $0x0  }
0x21: {  	s31 =	simm.s32 $0x2800;
	[sflag:s16] =	ssyncadd.s32 $0xFFFFC000  }
0x22: {  	[spmem:s2] =	stream.indirect.scatter.add.f32 [tilespmem:s15], [sflag:$0x2], $0x80, s31, s14, $0xb8;
	[tilespmem:$0x1D000] =	vst v63  }
0x23: {  	_ =	swait.ge [sflag:s10], $0x4000  }
0x24: {  	s19 =	simm.s32 $0x400;
	s18 =	simm.s32 $0x200;
	[sflag:s10] =	ssyncset.done $0x0  }
.LBB2_2:
0x25: {  	s20 =	sshra.s32 s18, $0x2  }
0x26: {  	[sflag:s10] =	ssyncadd.s32 $0xFFFFC000;
	s18 =	smov.u32 s19;
	s21 =	sadd.s32 $0x200, s19  }
0x27: {  	[tilespmem:s15], [sflag:$0x1] =	stream.indirect.gather [hbm4b:s4+s14], $0x80, s20, s14, $0xb8;
	[tilespmem:$0x1D000] =	vst v63  }
0x28: {  	p0 =	sne.s32 s19, $0x9E00;
	_ =	swait.ge [sflag:s16], $0x4000  }
.Ltmp0:
0x29: {  	[sflag:s16] =	ssyncset.done $0x0;
	(pc) =	sbr.rel @p0 .LBB2_2-.Ltmp0, $4  }
0x2a: {  	s19 =	sadd.s32 $0x2800, s20;
	[sflag:s16] =	ssyncadd.s32 $0xFFFFC000  }
0x2b: {  	[spmem:s2] =	stream.indirect.scatter.add.f32 [tilespmem:s15], [sflag:$0x2], $0x80, s19, s14, $0xb8;
	[tilespmem:$0x1D000] =	vst v63  }
0x2c: {  	_ =	swait.ge [sflag:s10], $0x4000  }
0x2d: {  	s19 =	smov.u32 s21;
	[sflag:s10] =	ssyncset.done $0x0  }
0x2e: {  	s18 =	sshra.s32 s18, $0x2;
	[sflag:s10] =	ssyncadd.s32 $0xFFFFC000  }
0x2f: {  	[tilespmem:s15], [sflag:$0x1] =	stream.indirect.gather [hbm4b:s4+s14], $0x80, s18, s14, $0xb8;
	[tilespmem:$0x1D000] =	vst v63  }
0x30: {  	_ =	swait.ge [sflag:s16], $0x4000  }
0x31: {  	[sflag:s16] =	ssyncset.done $0x0  }
0x32: {  	s18 =	sadd.s32 $0x2800, s18;
	[sflag:s16] =	ssyncadd.s32 $0xFFFFC000  }
0x33: {  	[spmem:s2] =	stream.indirect.scatter.add.f32 [tilespmem:s15], [sflag:$0x2], $0x80, s18, s14, $0xb8;
	[tilespmem:$0x1D000] =	vst v63  }
0x34: {  	_ =	swait.ge [sflag:s10], $0x4000  }
0x35: {  	s17 =	sadd.s32 $0x1, s17;
	[sflag:s10] =	ssyncset.done $0x0  }
0x36: {  	p0 =	sne.s32 s17, s9;
	[sflag:s10] =	ssyncadd.s32 $0xFFFFC000  }
.Ltmp1:
0x37: {  	[bflag:$0x0] =	sbarrier.arrive $0xFFFF;
	(pc) =	sbr.rel @p0 .LBB2_1-.Ltmp1, $4  }
0x38: {  	[hbm:s8], [sflag:s12] =	dma.local [spmem:s13], $0x2800  }
0x39: {  	_ =	swait.ge [sflag:s10], $0x2800  }
0x3a: {  	[sflag:s10] =	ssyncset.done $0x0  }
0x3b: {  	[sflag:s10] =	ssyncadd.s32 $0xFFFFD800  }
0x3c: {  	_ =	sfence.sel $0x180000  }
0x3d: {  	[bflag:$0x0] =	sbarrier.arrive $0xFFFF  }
0x3e: {  	p0 =	sne.s32 s1, $0x0;
	_ =	strace $0x9000004A  }
0x3f: {  	s0 =	sadd.s32 @!p0 $0x100000, s0;
	[bflag:$0x2] =	sbarrier.arrive $0xFFFF  }
0x40: {  	[sflag:s0] =	ssyncadd.tile.s32 @!p0 $0x1;
	_ =	shalt  }
.Lfunc_end2:
_tile_overlayer_lowered:
.L_overlay_start_2:
0x41: {  	(tag) =	ssettag $0x2  }
0x42: {  	s0 =	rddreg [dreg:$0x0];
	s2 =	stileid.u32  }
0x43: {  	s1 =	rddreg [dreg:$0x1];
	p0 =	sne.s32 s2, $0x0  }
0x44: {  	s3 =	rddreg [dreg:$0x2];
	[bflag:$0x3] =	sbarrier.arrive $0xFFFF;
	s2 =	simm.s32 @!p0 $0x1C02  }
0x45: {  	[timem:s3], [sflag:s2] =	dma.local @!p0 [hbm:s0], s1  }
0x46: {  	s0 =	simm.s32 @!p0 $0x2  }
0x47: {  	_ =	swait.ge @!p0 [sflag:s0], s1  }
0x48: {  	s1 =	ssub.s32 @!p0 $0x0, s1;
	[sflag:s0] =	ssyncset.done @!p0 $0x0  }
0x49: {  	[sflag:s0] =	ssyncadd.s32 @!p0 s1  }
0x4a: {  	[bflag:$0x3] =	sbarrier.arrive $0xFFFF  }
0x4b: {  	_ =	shalt  }

</sc_bundles>
